<compile_context>
chip_gen: v7x
topology: tpu7x:2x2x1
jax: 0.10.2.dev20260603
libtpu: 0.0.44.dev20260713+nightly
codegen_flags: <defaults>
</compile_context>

<pallas_src>
import functools

import jax
import jax.numpy as jnp
from jax import lax
from jax.experimental import pallas as pl
from jax.experimental.pallas import tpu as pltpu
from jax.experimental.pallas import tpu_sc as plsc

_NC = 2
_NS = 16
_NW = _NC * _NS
_CHUNK = 64


def _embed_lookup(ids, pids, word_table, pos_table):
    b, s = ids.shape
    d = word_table.shape[1]
    n_total = b * s
    cpw = n_total // (_NW * _CHUNK)
    spw = cpw * _CHUNK
    wpb = s // spw
    mesh = plsc.VectorSubcoreMesh(core_axis_name="c", subcore_axis_name="s")

    @functools.partial(
        pl.kernel,
        out_type=jax.ShapeDtypeStruct((b, s, d), jnp.float32),
        mesh=mesh,
        scratch_types=[
            pltpu.VMEM((spw,), jnp.int32),
            pltpu.VMEM((spw,), jnp.int32),
            pltpu.VMEM((cpw, _CHUNK, d), jnp.float32),
            pltpu.VMEM_SHARED((pos_table.shape[0], d), jnp.float32),
            pltpu.SemaphoreType.DMA,
            pltpu.SemaphoreType.DMA,
            pltpu.SemaphoreType.DMA,
            pltpu.SemaphoreType.DMA,
            pltpu.SemaphoreType.DMA,
        ],
    )
    def k(ids_hbm, pids_hbm, wt_hbm, pt_hbm, out_hbm,
          widx, pidx, wrows, pt_sp, gsem, psem, isem, ssem, stsem):
        sid = lax.axis_index("s")
        wid = sid * _NC + lax.axis_index("c")
        row = wid // wpb
        col0 = (wid % wpb) * spw
        ic1 = pltpu.async_copy(ids_hbm.at[row, pl.ds(col0, spw)], widx, isem)
        ic2 = pltpu.async_copy(pids_hbm.at[row, pl.ds(col0, spw)], pidx, isem)
        prows_per_tile = pos_table.shape[0] // _NS
        pslice = pl.ds(sid * prows_per_tile, prows_per_tile)
        stage = pltpu.async_copy(pt_hbm.at[pslice], pt_sp.at[pslice], stsem)
        ic1.wait()

        @pl.loop(0, cpw)
        def _word(j):
            js = pl.ds(j * _CHUNK, _CHUNK)
            pltpu.async_copy(wt_hbm.at[widx.at[js]], wrows.at[j], gsem)

        ic2.wait()
        stage.wait()
        plsc.subcore_barrier()

        @pl.loop(0, cpw)
        def _pos(j):
            pltpu.make_async_copy(wt_hbm.at[pl.ds(0, _CHUNK)], wrows.at[j], gsem).wait()
            js = pl.ds(j * _CHUNK, _CHUNK)
            pltpu.async_copy(pt_sp.at[pidx.at[js]], wrows.at[j], psem, add=True)

        @pl.loop(0, cpw)
        def _store(j):
            pltpu.make_async_copy(wt_hbm.at[pl.ds(0, _CHUNK)], wrows.at[j], psem).wait()
            cs = pl.ds(col0 + j * _CHUNK, _CHUNK)
            pltpu.async_copy(wrows.at[j], out_hbm.at[row, cs], ssem)

        @pl.loop(0, cpw)
        def _drain(j):
            pltpu.make_async_copy(wt_hbm.at[pl.ds(0, _CHUNK)], wrows.at[j], ssem).wait()

    return k(ids, pids, word_table, pos_table)


def kernel(x_qkv, batch_size, seq_len, input_ids, position_ids, word_table, pos_table):
    return _embed_lookup(input_ids, position_ids, word_table, pos_table)

# --- scband reference (transcript-rebuilt; emitter-appended) ---
"""Pipeline reference for scband-embedding-43396349559241 (READ-ONLY COPY).

The authoritative reference and input builder live on the scoring server;
editing this copy changes nothing except your own understanding.
"""

import jax, jax.numpy as jnp
import numpy as np

VOCAB = 100000
N_EMBED = 128
BATCH = 4
SEQ = 2048
BLOCK = 2048


def setup_inputs(seed: int = 0) -> dict:
    key = jax.random.key(seed)
    k1, k2, k3, k4 = jax.random.split(key, 4)
    return {
        "x_qkv": jax.random.normal(k1, (BATCH, SEQ, N_EMBED), dtype=jnp.float32),
        "batch_size": BATCH,
        "seq_len": SEQ,
        "input_ids": jax.random.randint(k2, (BATCH, SEQ), 0, VOCAB, dtype=jnp.int32),
        "position_ids": jax.random.randint(k3, (BATCH, SEQ), 0, BLOCK, dtype=jnp.int32),
        "word_table": jax.random.normal(k4, (VOCAB, N_EMBED), dtype=jnp.float32) * 0.02,
        "pos_table": jax.random.normal(jax.random.fold_in(key, 7), (BLOCK, N_EMBED), dtype=jnp.float32) * 0.02,
    }


def reference(x_qkv, batch_size, seq_len, input_ids, position_ids, word_table, pos_table):
    # Faithful translation of Embedding.forward: PCLayer.init_x with kind='embed'
    # initializes the latent state x as word_emb(input_ids) + pos_emb(position_ids).
    # Gathers map to SparseCore embedding lookups.
    word = jnp.take(word_table, input_ids, axis=0)   # [B, S, D]
    pos = jnp.take(pos_table, position_ids, axis=0)  # [B, S, D]
    x = word + pos
    return x

if __name__ == "__main__":
    import jax
    _d = setup_inputs()
    print(jax.jit(kernel)(*tuple(_d.values())))

</pallas_src>

<mosaic_0001>
#map = affine_map<(d0, d1) -> (0, 0)>
#map1 = affine_map<(d0, d1) -> (0, 0, 0)>
module attributes {stable_mosaic.version = 14 : i64} {
  func.func @k(%arg0: i32, %arg1: i32, %arg2: memref<4x2048xi32, #tpu.memory_space<hbm>>, %arg3: memref<4x2048xi32, #tpu.memory_space<hbm>>, %arg4: memref<100000x128xf32, #tpu.memory_space<hbm>>, %arg5: memref<2048x128xf32, #tpu.memory_space<hbm>>, %arg6: memref<4x2048x128xf32, #tpu.memory_space<hbm>>, %arg7: memref<256xi32, #tpu.memory_space<vmem>>, %arg8: memref<256xi32, #tpu.memory_space<vmem>>, %arg9: memref<4x64x128xf32, #tpu.memory_space<vmem>>, %arg10: memref<2048x128xf32, #tpu.memory_space<vmem_shared>>, %arg11: memref<!tpu.dma_semaphore, #tpu.memory_space<semaphore_mem>>, %arg12: memref<!tpu.dma_semaphore, #tpu.memory_space<semaphore_mem>>, %arg13: memref<!tpu.dma_semaphore, #tpu.memory_space<semaphore_mem>>, %arg14: memref<!tpu.dma_semaphore, #tpu.memory_space<semaphore_mem>>, %arg15: memref<!tpu.dma_semaphore, #tpu.memory_space<semaphore_mem>>) attributes {dimension_semantics = [#tpu.dimension_semantics<core_parallel>, #tpu.dimension_semantics<subcore_parallel>], iteration_bounds = array<i64: 2, 16>, scalar_prefetch = 0 : i64, scratch_operands = 9 : i64, tpu.core_type = #tpu.core_type<sc_vector_subcore>, window_params = [{transform_indices = #map}, {transform_indices = #map}, {transform_indices = #map}, {transform_indices = #map}, {transform_indices = #map1}]} {
    %mul3A = arith.constant 2 : i32
    %mul3A_0 = arith.muli %arg1, %mul3A : i32
    %add3A = arith.addi %mul3A_0, %arg0 : i32
    %jit3A = arith.constant 8 : i32
    %div3A = arith.divsi %add3A, %jit3A : i32
    %sign3A = arith.constant 0 : i32
    %sign3A_1 = arith.cmpi sgt, %add3A, %sign3A : i32
    %sign3A_2 = arith.extui %sign3A_1 : i1 to i32
    %sign3A_3 = arith.constant 0 : i32
    %sign3A_4 = arith.cmpi slt, %add3A, %sign3A_3 : i32
    %sign3A_5 = arith.extui %sign3A_4 : i1 to i32
    %sign3A_6 = arith.subi %sign3A_2, %sign3A_5 : i32
    %sign3A_7 = arith.constant 0 : i32
    %sign3A_8 = arith.cmpi sgt, %jit3A, %sign3A_7 : i32
    %sign3A_9 = arith.extui %sign3A_8 : i1 to i32
    %sign3A_10 = arith.constant 0 : i32
    %sign3A_11 = arith.cmpi slt, %jit3A, %sign3A_10 : i32
    %sign3A_12 = arith.extui %sign3A_11 : i1 to i32
    %sign3A_13 = arith.subi %sign3A_9, %sign3A_12 : i32
    %ne3A = arith.cmpi ne, %sign3A_6, %sign3A_13 : i32
    %rem3A = arith.remsi %add3A, %jit3A : i32
    %ne3A_14 = arith.constant 0 : i32
    %ne3A_15 = arith.cmpi ne, %rem3A, %ne3A_14 : i32
    %and3A = arith.andi %ne3A, %ne3A_15 : i1
    %sub3A = arith.constant 1 : i32
    %sub3A_16 = arith.subi %div3A, %sub3A : i32
    %select_n3A = arith.select %and3A, %sub3A_16, %div3A : i32
    %jit3A_17 = arith.constant 8 : i32
    %eq3A = arith.constant 0 : i32
    %eq3A_18 = arith.cmpi eq, %jit3A_17, %eq3A : i32
    %jit3A_19 = arith.constant 1 : i32
    %select_n3A_20 = arith.select %eq3A_18, %jit3A_19, %jit3A_17 : i32
    %rem3A_21 = arith.remsi %add3A, %select_n3A_20 : i32
    %ne3A_22 = arith.constant 0 : i32
    %ne3A_23 = arith.cmpi ne, %rem3A_21, %ne3A_22 : i32
    %lt3A = arith.constant 0 : i32
    %lt3A_24 = arith.cmpi slt, %rem3A_21, %lt3A : i32
    %lt3A_25 = arith.constant 0 : i32
    %lt3A_26 = arith.cmpi slt, %select_n3A_20, %lt3A_25 : i32
    %ne3A_27 = arith.xori %lt3A_24, %lt3A_26 : i1
    %and3A_28 = arith.andi %ne3A_27, %ne3A_23 : i1
    %add3A_29 = arith.addi %rem3A_21, %select_n3A_20 : i32
    %select_n3A_30 = arith.select %and3A_28, %add3A_29, %rem3A_21 : i32
    %mul3A_31 = arith.constant 256 : i32
    %mul3A_32 = arith.muli %select_n3A_30, %mul3A_31 : i32
    %dma_start3A = tpu.memref_slice %arg2[%select_n3A, %mul3A_32] : memref<4x2048xi32, #tpu.memory_space<hbm>> -> memref<1x256xi32, #tpu.memory_space<hbm>>
    %dma_start3A_33 = tpu.memref_squeeze %dma_start3A : memref<1x256xi32, #tpu.memory_space<hbm>> -> memref<256xi32, #tpu.memory_space<hbm>>
    %dma_start3A_34 = tpu.memref_slice %arg2[%select_n3A, %mul3A_32] : memref<4x2048xi32, #tpu.memory_space<hbm>> -> memref<1x256xi32, #tpu.memory_space<hbm>>
    %dma_start3A_35 = tpu.memref_squeeze %dma_start3A_34 : memref<1x256xi32, #tpu.memory_space<hbm>> -> memref<256xi32, #tpu.memory_space<hbm>>
    tpu.enqueue_dma source(%dma_start3A_35 : memref<256xi32, #tpu.memory_space<hbm>>) target(%arg7 : memref<256xi32, #tpu.memory_space<vmem>>) target_semaphore(%arg13 : memref<!tpu.dma_semaphore, #tpu.memory_space<semaphore_mem>>)
    %dma_start3A_36 = tpu.memref_slice %arg3[%select_n3A, %mul3A_32] : memref<4x2048xi32, #tpu.memory_space<hbm>> -> memref<1x256xi32, #tpu.memory_space<hbm>>
    %dma_start3A_37 = tpu.memref_squeeze %dma_start3A_36 : memref<1x256xi32, #tpu.memory_space<hbm>> -> memref<256xi32, #tpu.memory_space<hbm>>
    %dma_start3A_38 = tpu.memref_slice %arg3[%select_n3A, %mul3A_32] : memref<4x2048xi32, #tpu.memory_space<hbm>> -> memref<1x256xi32, #tpu.memory_space<hbm>>
    %dma_start3A_39 = tpu.memref_squeeze %dma_start3A_38 : memref<1x256xi32, #tpu.memory_space<hbm>> -> memref<256xi32, #tpu.memory_space<hbm>>
    tpu.enqueue_dma source(%dma_start3A_39 : memref<256xi32, #tpu.memory_space<hbm>>) target(%arg8 : memref<256xi32, #tpu.memory_space<vmem>>) target_semaphore(%arg13 : memref<!tpu.dma_semaphore, #tpu.memory_space<semaphore_mem>>)
    %mul3A_40 = arith.constant 128 : i32
    %mul3A_41 = arith.muli %arg1, %mul3A_40 : i32
    %dma_start3A_42 = arith.constant 0 : i32
    %dma_start3A_43 = tpu.memref_slice %arg10[%mul3A_41, %dma_start3A_42] : memref<2048x128xf32, #tpu.memory_space<vmem_shared>> -> memref<128x128xf32, #tpu.memory_space<vmem_shared>>
    %dma_start3A_44 = arith.constant 0 : i32
    %dma_start3A_45 = tpu.memref_slice %arg5[%mul3A_41, %dma_start3A_44] : memref<2048x128xf32, #tpu.memory_space<hbm>> -> memref<128x128xf32, #tpu.memory_space<hbm>>
    tpu.enqueue_dma source(%dma_start3A_45 : memref<128x128xf32, #tpu.memory_space<hbm>>) target(%dma_start3A_43 : memref<128x128xf32, #tpu.memory_space<vmem_shared>>) target_semaphore(%arg15 : memref<!tpu.dma_semaphore, #tpu.memory_space<semaphore_mem>>)
    %dma_wait3A = tpu.memref_slice %arg2[%select_n3A, %mul3A_32] : memref<4x2048xi32, #tpu.memory_space<hbm>> -> memref<1x256xi32, #tpu.memory_space<hbm>>
    %dma_wait3A_46 = tpu.memref_squeeze %dma_wait3A : memref<1x256xi32, #tpu.memory_space<hbm>> -> memref<256xi32, #tpu.memory_space<hbm>>
    %dma_wait3A_47 = tpu.memref_slice %arg2[%select_n3A, %mul3A_32] : memref<4x2048xi32, #tpu.memory_space<hbm>> -> memref<1x256xi32, #tpu.memory_space<hbm>>
    %dma_wait3A_48 = tpu.memref_squeeze %dma_wait3A_47 : memref<1x256xi32, #tpu.memory_space<hbm>> -> memref<256xi32, #tpu.memory_space<hbm>>
    tpu.wait_dma2 semaphore(%arg13 : memref<!tpu.dma_semaphore, #tpu.memory_space<semaphore_mem>>) src(%dma_wait3A_48 : memref<256xi32, #tpu.memory_space<hbm>>) dst(%arg7 : memref<256xi32, #tpu.memory_space<vmem>>)
    %scan3A = arith.constant 0 : i32
    %scan3A_49 = arith.constant 4 : i32
    %scan3A_50 = arith.addi %scan3A, %scan3A_49 : i32
    %scan3A_51 = arith.constant 1 : i32
    scf.for %scan3A_76 = %scan3A to %scan3A_50 step %scan3A_51  : i32 {
      %mul3A_77 = arith.constant 1 : i32
      %mul3A_78 = arith.muli %scan3A_76, %mul3A_77 : i32
      %add3A_79 = arith.constant 0 : i32
      %add3A_80 = arith.addi %add3A_79, %mul3A_78 : i32
      %mul3A_81 = arith.constant 64 : i32
      %mul3A_82 = arith.muli %add3A_80, %mul3A_81 : i32
      %dma_start3A_83 = arith.constant 0 : i32
      %dma_start3A_84 = arith.constant 0 : i32
      %dma_start3A_85 = tpu.memref_slice %arg9[%add3A_80, %dma_start3A_83, %dma_start3A_84] : memref<4x64x128xf32, #tpu.memory_space<vmem>> -> memref<1x64x128xf32, #tpu.memory_space<vmem>>
      %dma_start3A_86 = tpu.memref_squeeze %dma_start3A_85 : memref<1x64x128xf32, #tpu.memory_space<vmem>> -> memref<64x128xf32, #tpu.memory_space<vmem>>
      %dma_start3A_87 = tpu.memref_slice %arg7[%mul3A_82] : memref<256xi32, #tpu.memory_space<vmem>> -> memref<64xi32, #tpu.memory_space<vmem>>
      %dma_start3A_88 = arith.constant 0 : i32
      %dma_start3A_89 = arith.constant 0 : i32
      %dma_start3A_90 = tpu.memref_slice %arg4[%dma_start3A_88, %dma_start3A_89] : memref<100000x128xf32, #tpu.memory_space<hbm>> -> memref<100000x128xf32, #tpu.memory_space<hbm>>
      tpu.enqueue_indirect_dma source(%dma_start3A_90 : memref<100000x128xf32, #tpu.memory_space<hbm>>) target(%dma_start3A_86 : memref<64x128xf32, #tpu.memory_space<vmem>>) offsets(%dma_start3A_87 : memref<64xi32, #tpu.memory_space<vmem>>) semaphore(%arg11 : memref<!tpu.dma_semaphore, #tpu.memory_space<semaphore_mem>>)
    }
    %scan3A_52 = arith.constant 4 : i32
    %dma_wait3A_53 = tpu.memref_slice %arg3[%select_n3A, %mul3A_32] : memref<4x2048xi32, #tpu.memory_space<hbm>> -> memref<1x256xi32, #tpu.memory_space<hbm>>
    %dma_wait3A_54 = tpu.memref_squeeze %dma_wait3A_53 : memref<1x256xi32, #tpu.memory_space<hbm>> -> memref<256xi32, #tpu.memory_space<hbm>>
    %dma_wait3A_55 = tpu.memref_slice %arg3[%select_n3A, %mul3A_32] : memref<4x2048xi32, #tpu.memory_space<hbm>> -> memref<1x256xi32, #tpu.memory_space<hbm>>
    %dma_wait3A_56 = tpu.memref_squeeze %dma_wait3A_55 : memref<1x256xi32, #tpu.memory_space<hbm>> -> memref<256xi32, #tpu.memory_space<hbm>>
    tpu.wait_dma2 semaphore(%arg13 : memref<!tpu.dma_semaphore, #tpu.memory_space<semaphore_mem>>) src(%dma_wait3A_56 : memref<256xi32, #tpu.memory_space<hbm>>) dst(%arg8 : memref<256xi32, #tpu.memory_space<vmem>>)
    %dma_wait3A_57 = arith.constant 0 : i32
    %dma_wait3A_58 = tpu.memref_slice %arg10[%mul3A_41, %dma_wait3A_57] : memref<2048x128xf32, #tpu.memory_space<vmem_shared>> -> memref<128x128xf32, #tpu.memory_space<vmem_shared>>
    %dma_wait3A_59 = arith.constant 0 : i32
    %dma_wait3A_60 = tpu.memref_slice %arg5[%mul3A_41, %dma_wait3A_59] : memref<2048x128xf32, #tpu.memory_space<hbm>> -> memref<128x128xf32, #tpu.memory_space<hbm>>
    tpu.wait_dma2 semaphore(%arg15 : memref<!tpu.dma_semaphore, #tpu.memory_space<semaphore_mem>>) src(%dma_wait3A_60 : memref<128x128xf32, #tpu.memory_space<hbm>>) dst(%dma_wait3A_58 : memref<128x128xf32, #tpu.memory_space<vmem_shared>>)
    %barrier3A = arith.constant 0 : index
    tpu.barrier barrier_id(%barrier3A)
    %scan3A_61 = arith.constant 0 : i32
    %scan3A_62 = arith.constant 4 : i32
    %scan3A_63 = arith.addi %scan3A_61, %scan3A_62 : i32
    %scan3A_64 = arith.constant 1 : i32
    scf.for %scan3A_76 = %scan3A_61 to %scan3A_63 step %scan3A_64  : i32 {
      %mul3A_77 = arith.constant 1 : i32
      %mul3A_78 = arith.muli %scan3A_76, %mul3A_77 : i32
      %add3A_79 = arith.constant 0 : i32
      %add3A_80 = arith.addi %add3A_79, %mul3A_78 : i32
      %dma_wait3A_81 = arith.constant 0 : i32
      %dma_wait3A_82 = arith.constant 0 : i32
      %dma_wait3A_83 = tpu.memref_slice %arg9[%add3A_80, %dma_wait3A_81, %dma_wait3A_82] : memref<4x64x128xf32, #tpu.memory_space<vmem>> -> memref<1x64x128xf32, #tpu.memory_space<vmem>>
      %dma_wait3A_84 = tpu.memref_squeeze %dma_wait3A_83 : memref<1x64x128xf32, #tpu.memory_space<vmem>> -> memref<64x128xf32, #tpu.memory_space<vmem>>
      %dma_wait3A_85 = arith.constant 0 : i32
      %dma_wait3A_86 = arith.constant 0 : i32
      %dma_wait3A_87 = tpu.memref_slice %arg4[%dma_wait3A_85, %dma_wait3A_86] : memref<100000x128xf32, #tpu.memory_space<hbm>> -> memref<64x128xf32, #tpu.memory_space<hbm>>
      %dma_wait3A_88 = arith.constant 0 : i32
      %dma_wait3A_89 = arith.constant 0 : i32
      %dma_wait3A_90 = tpu.memref_slice %arg9[%add3A_80, %dma_wait3A_88, %dma_wait3A_89] : memref<4x64x128xf32, #tpu.memory_space<vmem>> -> memref<1x64x128xf32, #tpu.memory_space<vmem>>
      %dma_wait3A_91 = tpu.memref_squeeze %dma_wait3A_90 : memref<1x64x128xf32, #tpu.memory_space<vmem>> -> memref<64x128xf32, #tpu.memory_space<vmem>>
      %dma_wait3A_92 = arith.constant 0 : i32
      %dma_wait3A_93 = arith.constant 0 : i32
      %dma_wait3A_94 = tpu.memref_slice %arg4[%dma_wait3A_92, %dma_wait3A_93] : memref<100000x128xf32, #tpu.memory_space<hbm>> -> memref<64x128xf32, #tpu.memory_space<hbm>>
      tpu.wait_dma2 semaphore(%arg11 : memref<!tpu.dma_semaphore, #tpu.memory_space<semaphore_mem>>) src(%dma_wait3A_94 : memref<64x128xf32, #tpu.memory_space<hbm>>) dst(%dma_wait3A_91 : memref<64x128xf32, #tpu.memory_space<vmem>>)
      %mul3A_95 = arith.constant 64 : i32
      %mul3A_96 = arith.muli %add3A_80, %mul3A_95 : i32
      %dma_start3A_97 = arith.constant 0 : i32
      %dma_start3A_98 = arith.constant 0 : i32
      %dma_start3A_99 = tpu.memref_slice %arg9[%add3A_80, %dma_start3A_97, %dma_start3A_98] : memref<4x64x128xf32, #tpu.memory_space<vmem>> -> memref<1x64x128xf32, #tpu.memory_space<vmem>>
      %dma_start3A_100 = tpu.memref_squeeze %dma_start3A_99 : memref<1x64x128xf32, #tpu.memory_space<vmem>> -> memref<64x128xf32, #tpu.memory_space<vmem>>
      %dma_start3A_101 = tpu.memref_slice %arg8[%mul3A_96] : memref<256xi32, #tpu.memory_space<vmem>> -> memref<64xi32, #tpu.memory_space<vmem>>
      %dma_start3A_102 = arith.constant 0 : i32
      %dma_start3A_103 = arith.constant 0 : i32
      %dma_start3A_104 = tpu.memref_slice %arg10[%dma_start3A_102, %dma_start3A_103] : memref<2048x128xf32, #tpu.memory_space<vmem_shared>> -> memref<2048x128xf32, #tpu.memory_space<vmem_shared>>
      tpu.enqueue_indirect_dma source(%dma_start3A_104 : memref<2048x128xf32, #tpu.memory_space<vmem_shared>>) target(%dma_start3A_100 : memref<64x128xf32, #tpu.memory_space<vmem>>) offsets(%dma_start3A_101 : memref<64xi32, #tpu.memory_space<vmem>>) semaphore(%arg12 : memref<!tpu.dma_semaphore, #tpu.memory_space<semaphore_mem>>) {add = true}
    }
    %scan3A_65 = arith.constant 4 : i32
    %scan3A_66 = arith.constant 0 : i32
    %scan3A_67 = arith.constant 4 : i32
    %scan3A_68 = arith.addi %scan3A_66, %scan3A_67 : i32
    %scan3A_69 = arith.constant 1 : i32
    scf.for %scan3A_76 = %scan3A_66 to %scan3A_68 step %scan3A_69  : i32 {
      %mul3A_77 = arith.constant 1 : i32
      %mul3A_78 = arith.muli %scan3A_76, %mul3A_77 : i32
      %add3A_79 = arith.constant 0 : i32
      %add3A_80 = arith.addi %add3A_79, %mul3A_78 : i32
      %dma_wait3A_81 = arith.constant 0 : i32
      %dma_wait3A_82 = arith.constant 0 : i32
      %dma_wait3A_83 = tpu.memref_slice %arg9[%add3A_80, %dma_wait3A_81, %dma_wait3A_82] : memref<4x64x128xf32, #tpu.memory_space<vmem>> -> memref<1x64x128xf32, #tpu.memory_space<vmem>>
      %dma_wait3A_84 = tpu.memref_squeeze %dma_wait3A_83 : memref<1x64x128xf32, #tpu.memory_space<vmem>> -> memref<64x128xf32, #tpu.memory_space<vmem>>
      %dma_wait3A_85 = arith.constant 0 : i32
      %dma_wait3A_86 = arith.constant 0 : i32
      %dma_wait3A_87 = tpu.memref_slice %arg4[%dma_wait3A_85, %dma_wait3A_86] : memref<100000x128xf32, #tpu.memory_space<hbm>> -> memref<64x128xf32, #tpu.memory_space<hbm>>
      %dma_wait3A_88 = arith.constant 0 : i32
      %dma_wait3A_89 = arith.constant 0 : i32
      %dma_wait3A_90 = tpu.memref_slice %arg9[%add3A_80, %dma_wait3A_88, %dma_wait3A_89] : memref<4x64x128xf32, #tpu.memory_space<vmem>> -> memref<1x64x128xf32, #tpu.memory_space<vmem>>
      %dma_wait3A_91 = tpu.memref_squeeze %dma_wait3A_90 : memref<1x64x128xf32, #tpu.memory_space<vmem>> -> memref<64x128xf32, #tpu.memory_space<vmem>>
      %dma_wait3A_92 = arith.constant 0 : i32
      %dma_wait3A_93 = arith.constant 0 : i32
      %dma_wait3A_94 = tpu.memref_slice %arg4[%dma_wait3A_92, %dma_wait3A_93] : memref<100000x128xf32, #tpu.memory_space<hbm>> -> memref<64x128xf32, #tpu.memory_space<hbm>>
      tpu.wait_dma2 semaphore(%arg12 : memref<!tpu.dma_semaphore, #tpu.memory_space<semaphore_mem>>) src(%dma_wait3A_94 : memref<64x128xf32, #tpu.memory_space<hbm>>) dst(%dma_wait3A_91 : memref<64x128xf32, #tpu.memory_space<vmem>>)
      %mul3A_95 = arith.constant 64 : i32
      %mul3A_96 = arith.muli %add3A_80, %mul3A_95 : i32
      %add3A_97 = arith.addi %mul3A_32, %mul3A_96 : i32
      %dma_start3A_98 = arith.constant 0 : i32
      %dma_start3A_99 = arith.constant 0 : i32
      %dma_start3A_100 = tpu.memref_slice %arg9[%add3A_80, %dma_start3A_98, %dma_start3A_99] : memref<4x64x128xf32, #tpu.memory_space<vmem>> -> memref<1x64x128xf32, #tpu.memory_space<vmem>>
      %dma_start3A_101 = tpu.memref_squeeze %dma_start3A_100 : memref<1x64x128xf32, #tpu.memory_space<vmem>> -> memref<64x128xf32, #tpu.memory_space<vmem>>
      %dma_start3A_102 = arith.constant 0 : i32
      %dma_start3A_103 = tpu.memref_slice %arg6[%select_n3A, %add3A_97, %dma_start3A_102] : memref<4x2048x128xf32, #tpu.memory_space<hbm>> -> memref<1x64x128xf32, #tpu.memory_space<hbm>>
      %dma_start3A_104 = tpu.memref_squeeze %dma_start3A_103 : memref<1x64x128xf32, #tpu.memory_space<hbm>> -> memref<64x128xf32, #tpu.memory_space<hbm>>
      %dma_start3A_105 = arith.constant 0 : i32
      %dma_start3A_106 = tpu.memref_slice %arg6[%select_n3A, %add3A_97, %dma_start3A_105] : memref<4x2048x128xf32, #tpu.memory_space<hbm>> -> memref<1x64x128xf32, #tpu.memory_space<hbm>>
      %dma_start3A_107 = tpu.memref_squeeze %dma_start3A_106 : memref<1x64x128xf32, #tpu.memory_space<hbm>> -> memref<64x128xf32, #tpu.memory_space<hbm>>
      %dma_start3A_108 = arith.constant 0 : i32
      %dma_start3A_109 = arith.constant 0 : i32
      %dma_start3A_110 = tpu.memref_slice %arg9[%add3A_80, %dma_start3A_108, %dma_start3A_109] : memref<4x64x128xf32, #tpu.memory_space<vmem>> -> memref<1x64x128xf32, #tpu.memory_space<vmem>>
      %dma_start3A_111 = tpu.memref_squeeze %dma_start3A_110 : memref<1x64x128xf32, #tpu.memory_space<vmem>> -> memref<64x128xf32, #tpu.memory_space<vmem>>
      tpu.enqueue_dma source(%dma_start3A_111 : memref<64x128xf32, #tpu.memory_space<vmem>>) target(%dma_start3A_107 : memref<64x128xf32, #tpu.memory_space<hbm>>) target_semaphore(%arg14 : memref<!tpu.dma_semaphore, #tpu.memory_space<semaphore_mem>>)
    }
    %scan3A_70 = arith.constant 4 : i32
    %scan3A_71 = arith.constant 0 : i32
    %scan3A_72 = arith.constant 4 : i32
    %scan3A_73 = arith.addi %scan3A_71, %scan3A_72 : i32
    %scan3A_74 = arith.constant 1 : i32
    scf.for %scan3A_76 = %scan3A_71 to %scan3A_73 step %scan3A_74  : i32 {
      %mul3A_77 = arith.constant 1 : i32
      %mul3A_78 = arith.muli %scan3A_76, %mul3A_77 : i32
      %add3A_79 = arith.constant 0 : i32
      %add3A_80 = arith.addi %add3A_79, %mul3A_78 : i32
      %dma_wait3A_81 = arith.constant 0 : i32
      %dma_wait3A_82 = arith.constant 0 : i32
      %dma_wait3A_83 = tpu.memref_slice %arg9[%add3A_80, %dma_wait3A_81, %dma_wait3A_82] : memref<4x64x128xf32, #tpu.memory_space<vmem>> -> memref<1x64x128xf32, #tpu.memory_space<vmem>>
      %dma_wait3A_84 = tpu.memref_squeeze %dma_wait3A_83 : memref<1x64x128xf32, #tpu.memory_space<vmem>> -> memref<64x128xf32, #tpu.memory_space<vmem>>
      %dma_wait3A_85 = arith.constant 0 : i32
      %dma_wait3A_86 = arith.constant 0 : i32
      %dma_wait3A_87 = tpu.memref_slice %arg4[%dma_wait3A_85, %dma_wait3A_86] : memref<100000x128xf32, #tpu.memory_space<hbm>> -> memref<64x128xf32, #tpu.memory_space<hbm>>
      %dma_wait3A_88 = arith.constant 0 : i32
      %dma_wait3A_89 = arith.constant 0 : i32
      %dma_wait3A_90 = tpu.memref_slice %arg9[%add3A_80, %dma_wait3A_88, %dma_wait3A_89] : memref<4x64x128xf32, #tpu.memory_space<vmem>> -> memref<1x64x128xf32, #tpu.memory_space<vmem>>
      %dma_wait3A_91 = tpu.memref_squeeze %dma_wait3A_90 : memref<1x64x128xf32, #tpu.memory_space<vmem>> -> memref<64x128xf32, #tpu.memory_space<vmem>>
      %dma_wait3A_92 = arith.constant 0 : i32
      %dma_wait3A_93 = arith.constant 0 : i32
      %dma_wait3A_94 = tpu.memref_slice %arg4[%dma_wait3A_92, %dma_wait3A_93] : memref<100000x128xf32, #tpu.memory_space<hbm>> -> memref<64x128xf32, #tpu.memory_space<hbm>>
      tpu.wait_dma2 semaphore(%arg14 : memref<!tpu.dma_semaphore, #tpu.memory_space<semaphore_mem>>) src(%dma_wait3A_94 : memref<64x128xf32, #tpu.memory_space<hbm>>) dst(%dma_wait3A_91 : memref<64x128xf32, #tpu.memory_space<vmem>>)
    }
    %scan3A_75 = arith.constant 4 : i32
    return
  }
}

</mosaic_0001>

<sc_bundles>
// kernel: kernel.3.cloned.1.call-start
scs
__scs_entry_jumppad:
0x0: {  	(pc) =	sbr.rel $0x88, $3  }
0x1: {  	(tag) =	ssettag $0x0;
	lr =	simm.s32 $0x1  }
0x2: {  	[smem:$0x3F9D] =	sst lr;
	_ =	strace $0xD0000000  }
0x3: {  	_ = 	snop  }
0x4: {  	_ = 	snop  }
0x5: {  	_ = 	snop  }
0x6: {  	_ = 	snop  }
0x7: {  	_ = 	snop  }
__scs_overlays_trampoline_lowered:
0x8: {  	[smem:$0x3FAC] =	sst s0  }
0x9: {  	[smem:$0x3FAD] =	sst s1  }
0xa: {  	[smem:$0x3FAE] =	sst s2  }
0xb: {  	[smem:$0x3FAF] =	sst s3  }
0xc: {  	[smem:$0x3FB0] =	sst s4  }
0xd: {  	[smem:$0x3FB1] =	sst s5  }
0xe: {  	[smem:$0x3FB2] =	sst s6  }
0xf: {  	[smem:$0x3FB3] =	sst s7  }
0x10: {  	[smem:$0x3FB4] =	sst s8  }
0x11: {  	[smem:$0x3FB5] =	sst s9;
	s0 =	simm.s32 @!p0 $0x0  }
0x12: {  	s1 =	sld [smem:$0x3F9B];
	s0 =	simm.s32 @p0 $0x1  }
0x13: {  	[smem:$0x3FB6] =	sst s0;
	s0 =	simm.s32 @!p1 $0x0  }
0x14: {  	s2 =	sld [smem:$0x3F9A];
	s0 =	simm.s32 @p1 $0x1  }
0x15: {  	[smem:$0x3FB7] =	sst s0;
	s0 =	simm.s32 @!p2 $0x0  }
0x16: {  	s3 =	sld [smem:$0x3FDB];
	s0 =	simm.s32 @p2 $0x1  }
0x17: {  	s4 =	simm.s32 $0x1BF5;
	[smem:$0x3FB9] =	sst s0  }
0x18: {  	s0 =	sld [smem:$0x3F9C];
	_ =	swait.ge [sflag:s4], $0x0  }
0x19: {  	s7 =	sld [smem:$0x3F9D]  }
0x1a: {  	s8 =	sadd.s32 $0xFFFFE003, lr  }
0x1b: {  	s9 =	sadd.s32 $0xFFFFFEF7, lr;
	s5 =	simm.s32 $0xFFFFFFFF;
	p2 =	slt.u32 s8, $0xFFFFF086  }
0x1c: {  	p1 =	slt.u32 s9, $0xF7A;
	s5 =	simm.s32 @!p2 $0x0  }
0x1d: {  	s5 =	simm.s32 @p1 $0x1;
	p0 =	seq.s32 s7, s2  }
0x1e: {  	s7 =	smul.u32 @!p0 $0xF7A, s2;
	p2 =	seq.s32 @!p0 s5, $0x0  }
0x1f: {  	s9 =	smul.u32 $0xF7A, s1;
	s8 =	simm.s32 @!p0 $0x1BF5;
	p2 =	por !p2, p0  }
0x20: {  	[sflag:s8] =	ssyncset.s32 @!p0 $0xFFFFF086;
	s6 =	sadd.s32 @!p0 s3, s7;
	s7 =	simm.s32 @!p0 $0x108  }
0x21: {  	s3 =	sadd.s32 s3, s9;
	s6 =	sadd.s32 @!p0 $0x88, s6;
	s7 =	simm.s32 @p2 $0x1082  }
0x22: {  	[simem:s7], [sflag:s8] =	dma.local @!p0 [hbm:s6], $0xF7A  }
0x23: {  	s9 =	sor.u32 $0xD0000000, s2;
	s6 =	simm.s32 $0x108;
	_ =	swait.ge @!p0 [sflag:s8], $0x0  }
0x24: {  	s3 =	sadd.s32 $0x88, s3;
	s6 =	simm.s32 @!p1 $0x1082;
	[sflag:s4] =	ssyncset.s32 $0xFFFFF086  }
0x25: {  	[simem:s6], [sflag:s4] =	dma.local [hbm:s3], $0xF7A  }
0x26: {  	[smem:$0x3F9D] =	sst s1;
	(tag) =	ssettag s2;
	_ =	strace s9  }
0x27: {  	s1 =	sld [smem:$0x3FAD]  }
0x28: {  	s2 =	sld [smem:$0x3FAE]  }
0x29: {  	s4 =	sld [smem:$0x3FB0]  }
0x2a: {  	p0 =	seq.s32 s5, $0x0;
	s5 =	sld [smem:$0x3FB1]  }
0x2b: {  	s6 =	sld [smem:$0x3FB2]  }
0x2c: {  	s7 =	sld [smem:$0x3FB3]  }
0x2d: {  	s3 =	simm.s32 $0x108;
	s8 =	sld [smem:$0x3FB4]  }
0x2e: {  	s3 =	simm.s32 @!p0 $0x1082;
	s9 =	sld [smem:$0x3FB5]  }
0x2f: {  	lr =	sadd.s32 s0, s3;
	s0 =	sld [smem:$0x3FAC]  }
0x30: {  	s3 =	sld [smem:$0x3FAF]  }
0x31: {  	[smem:$0x3FB8] =	sst s10  }
0x32: {  	s10 =	sld [smem:$0x3FB6];
	_ =	sdelay $0x3  }
0x33: {  	p0 =	seq.s32 s10, $0x1;
	s10 =	sld [smem:$0x3FB8];
	_ =	sdelay $0x3  }
0x34: {  	[smem:$0x3FB8] =	sst s10  }
0x35: {  	s10 =	sld [smem:$0x3FB7];
	_ =	sdelay $0x3  }
0x36: {  	p1 =	seq.s32 s10, $0x1;
	s10 =	sld [smem:$0x3FB8];
	_ =	sdelay $0x3  }
0x37: {  	[smem:$0x3FB8] =	sst s10  }
0x38: {  	s10 =	sld [smem:$0x3FB9]  }
0x39: {  	_ = 	snop;
	(pc) =	sbr.ind lr, $3  }
0x3a: {  	_ = 	snop  }
0x3b: {  	_ = 	snop  }
0x3c: {  	p2 =	seq.s32 s10, $0x1;
	s10 =	sld [smem:$0x3FB8]  }
0x3d: {  	_ =	shalt  }
0x3e: {  	_ =	shalt  }
0x3f: {  	_ =	shalt  }
0x40: {  	_ =	shalt  }
0x41: {  	_ =	shalt  }
0x42: {  	_ =	shalt  }
0x43: {  	_ =	shalt  }
0x44: {  	_ =	shalt  }
0x45: {  	_ =	shalt  }
0x46: {  	_ =	shalt  }
0x47: {  	_ =	shalt  }
0x48: {  	_ =	shalt  }
0x49: {  	_ =	shalt  }
0x4a: {  	_ =	shalt  }
0x4b: {  	_ =	shalt  }
0x4c: {  	_ =	shalt  }
0x4d: {  	_ =	shalt  }
0x4e: {  	_ =	shalt  }
0x4f: {  	_ =	shalt  }
0x50: {  	_ =	shalt  }
0x51: {  	_ =	shalt  }
0x52: {  	_ =	shalt  }
0x53: {  	_ =	shalt  }
0x54: {  	_ =	shalt  }
0x55: {  	_ =	shalt  }
0x56: {  	_ =	shalt  }
0x57: {  	_ =	shalt  }
0x58: {  	_ =	shalt  }
0x59: {  	_ =	shalt  }
0x5a: {  	_ =	shalt  }
0x5b: {  	_ =	shalt  }
0x5c: {  	_ =	shalt  }
0x5d: {  	_ =	shalt  }
0x5e: {  	_ =	shalt  }
0x5f: {  	_ =	shalt  }
0x60: {  	_ =	shalt  }
0x61: {  	_ =	shalt  }
0x62: {  	_ =	shalt  }
0x63: {  	_ =	shalt  }
0x64: {  	_ =	shalt  }
0x65: {  	_ =	shalt  }
0x66: {  	_ =	shalt  }
0x67: {  	_ =	shalt  }
0x68: {  	_ =	shalt  }
0x69: {  	_ =	shalt  }
0x6a: {  	_ =	shalt  }
0x6b: {  	_ =	shalt  }
0x6c: {  	_ =	shalt  }
0x6d: {  	_ =	shalt  }
0x6e: {  	_ =	shalt  }
0x6f: {  	_ =	shalt  }
0x70: {  	_ =	shalt  }
0x71: {  	_ =	shalt  }
0x72: {  	_ =	shalt  }
0x73: {  	_ =	shalt  }
0x74: {  	_ =	shalt  }
0x75: {  	_ =	shalt  }
0x76: {  	_ =	shalt  }
0x77: {  	_ =	shalt  }
0x78: {  	_ =	shalt  }
0x79: {  	_ =	shalt  }
0x7a: {  	_ =	shalt  }
0x7b: {  	_ =	shalt  }
0x7c: {  	_ =	shalt  }
0x7d: {  	_ =	shalt  }
0x7e: {  	_ =	shalt  }
0x7f: {  	_ =	shalt  }
0x80: {  	_ =	shalt  }
0x81: {  	_ =	shalt  }
0x82: {  	_ =	shalt  }
0x83: {  	_ =	shalt  }
0x84: {  	_ =	shalt  }
0x85: {  	_ =	shalt  }
0x86: {  	_ =	shalt  }
0x87: {  	_ =	shalt  }
.Lfunc_end0:
.L_simem_size_0:
called_computation_lowered:
.L_overlay_start_0:
0x88: {  	s2 =	sld [smem:$0x3FD9]  }
0x89: {  	s3 =	sld [smem:$0x3FFE];
	_ =	sdelay $0x1  }
0x8a: {  	s1 =	srdreg.scid  }
0x8b: {  	s0 =	sand.u32 $0x1, s1  }
0x8c: {  	s18 =	sshll.u32 s0, $0xA;
	s2 =	sadd.s32 s3, s2  }
0x8d: {  	s2 =	sadd.s32 s2, s18  }
0x8e: {  	[smem:$0x3FC4] =	sst s2  }
0x8f: {  	_ = 	snop  }
0x90: {  	s2 =	sld [smem:$0x3FC9]  }
0x91: {  	s19 =	sld [smem:$0x3FC8]  }
0x92: {  	s4 =	sld [smem:$0x3FC7]  }
0x93: {  	s5 =	sld [smem:$0x3FC6]  }
0x94: {  	s6 =	sld [smem:$0x3FD0];
	(tm) =	ssettm $0x1  }
0x95: {  	s7 =	sld [smem:$0x3FFB];
	_ =	sdelay $0x3  }
0x96: {  	_ =	strace s7  }
0x97: {  	s7 =	sld [smem:$0x3FFC];
	_ =	sdelay $0x3  }
0x98: {  	_ =	strace s7  }
0x99: {  	s7 =	sld [smem:$0x3FFD];
	_ =	sdelay $0x3  }
0x9a: {  	_ =	strace s7  }
0x9b: {  	_ =	strace $0x8FFFFFFF  }
0x9c: {  	s20 =	sld [smem:$0x3FDB];
	_ =	sdelay $0x1  }
0x9d: {  	s8 =	simm.s32 $_scs_section_size  }
0x9e: {  	s9 =	simm.s32 $_size__tile_overlayer_lowered;
	s10 =	simm.s32 $_tile_overlayer_lowered  }
0x9f: {  	s23 =	simm.s32 $0x1BFF;
	s22 =	sshll.u32 s10, $0x1;
	s7 =	sadd.s32 s8, s20  }
0xa0: {  	s11 =	simm.s32 $0x0;
	s21 =	sshll.u32 s9, $0x1;
	s9 =	sadd.s32 s22, s7  }
0xa1: {  	[timem:s11], [sflag:s23] =	dma.local [hbm:s9], s21  }
0xa2: {  	_ =	swait.ge [sflag:s23], s21  }
0xa3: {  	s8 =	ssub.s32 $0x0, s21;
	[sflag:s23] =	ssyncset.done $0x0  }
0xa4: {  	[sflag:s23] =	ssyncadd.s32 s8;
	_ =	sdelay $0x1  }
0xa5: {  	s24 =	simm.s32 $0x1B8B  }
0xa6: {  	_ =	swait.ge [sflag:s24], $0x1  }
0xa7: {  	[sflag:s24] =	ssyncset.done $0x0  }
0xa8: {  	s25 =	simm.s32 $0x1B8E;
	[sflag:s24] =	ssyncadd.s32 $0xFFFFFFFF  }
0xa9: {  	s26 =	simm.s32 $execute0_lowered;
	[smem:$0x3FD2] =	sst s25  }
0xaa: {  	s8 =	sshll.u32 s26, $0x1;
	_ =	strace $0x80000046;
	[dreg:$0x1] =	wrdreg $0xFFFFFFFF  }
0xab: {  	s28 =	simm.s32 $_size_execute0_lowered;
	s7 =	sadd.s32 s7, s8;
	[dreg:$0x0] =	wrdreg $0x0  }
0xac: {  	s8 =	sshll.u32 s28, $0x1;
	[dreg:$0x2] =	wrdreg s7  }
0xad: {  	[dreg:$0x3] =	wrdreg s8  }
0xae: {  	[dreg:$0x4] =	wrdreg $0xC0  }
0xaf: {  	_ =	task [dreg:s11], $0x5FFFF  }
0xb0: {  	[dreg:$0x1] =	wrdreg $0xFFFFFFFF  }
0xb1: {  	[dreg:$0x0] =	wrdreg $0x60  }
0xb2: {  	[dreg:$0x2] =	wrdreg s2  }
0xb3: {  	[dreg:$0x3] =	wrdreg s19  }
0xb4: {  	[dreg:$0x4] =	wrdreg s4  }
0xb5: {  	[dreg:$0x5] =	wrdreg s5  }
0xb6: {  	[dreg:$0x6] =	wrdreg s6  }
0xb7: {  	[dreg:$0x7] =	wrdreg $0x82000  }
0xb8: {  	[dreg:$0x8] =	wrdreg $0x9  }
0xb9: {  	_ =	task.clear_ibuf [dreg:s11], $0x9FFFF;
	_ =	strace $0x90000046  }
0xba: {  	s29 =	simm.s32 $0x9;
	_ =	strace $0x80000048  }
0xbb: {  	_ =	swait.ge [sflag:s29], $0x1  }
0xbc: {  	[sflag:s29] =	ssyncadd.s32 $0xFFFFFFFF  }
0xbd: {  	_ =	strace $0x90000048  }
0xbe: {  	_ =	sfence  }
0xbf: {  	s30 =	sld [smem:$0x0];
	_ =	sdelay $0x2  }
0xc0: {  	s31 =	sshll.u32 s1, $0xD;
	s1 =	sshrl.u32 s1, $0x2  }
0xc1: {  	s3 =	sand.u32 $0x4000, s31;
	s1 =	sadd.s32 s1, s30  }
0xc2: {  	s0 =	sor.u32 s3, s0;
	s1 =	sshll.u32 s1, $0x11  }
0xc3: {  	s0 =	sor.u32 s1, s0  }
0xc4: {  	s0 =	sadd.s32 $0x8F2B, s0  }
0xc5: {  	[sflag:s0] =	ssyncadd.remote.s32 $0x1  }
0xc6: {  	_ =	sfence.sel $0xFFFF  }
0xc7: {  	[dreg:$0x0] =	wrdreg $0xFFFFFFFF;
	(pc) =	sbr.abs _section_cstart, $3  }
0xc8: {  	[dreg:$0x1] =	wrdreg $0xFFFFFFFF  }
0xc9: {  	_ =	task.clear_ibuf [dreg:s11], $0x2FFFF;
	_ =	strace $0x9FFFFFFF  }
0xca: {  	(tm) =	ssettm $0x7FFFFFFF  }
0xcb: {  	_ =	shalt  }
tec
execute0_lowered:
.L_overlay_start_1:
0x0: {  	(tag) =	ssettag $0x1  }
0x1: {  	s5 =	rddreg [dreg:$0x0]  }
0x2: {  	s6 =	rddreg [dreg:$0x1]  }
0x3: {  	s1 =	rddreg [dreg:$0x2]  }
0x4: {  	s7 =	rddreg [dreg:$0x3]  }
0x5: {  	s0 =	stileid.u32;
	s25 =	rddreg [dreg:$0x4]  }
0x6: {  	s2 =	srdreg.scid;
	s3 =	rddreg [dreg:$0x5]  }
0x7: {  	s10 =	simm.s32 $0x200;
	s11 =	simm.s32 $0x100;
	s13 =	simm.s32 $0x3  }
0x8: {  	s4 =	sshll.u32 s0, $0x1;
	s31 =	sand.u32 $0x1, s2;
	s26 =	sshrl.u32 s0, $0x2  }
0x9: {  	s22 =	sshll.u32 s0, $0xE;
	s23 =	sshll.u32 s0, $0xB;
	s4 =	sand.u32 $0x6, s4  }
0xa: {  	s24 =	sshll.u32 s0, $0x6;
	s9 =	sshll.u32 s26, $0x4;
	s28 =	sor.u32 s31, s4  }
0xb: {  	s12 =	sadd.s32 s22, s3;
	s4 =	simm.s32 $0x0;
	s8 =	sshll.u32 s28, $0x7  }
0xc: {  	s7 =	sadd.s32 s7, s23;
	[smem:$0x7FF] =	sst s4;
	s8 =	sor.u32 s9, s8  }
0xd: {  	_ =	strace $0x80000047;
	s9 =	simm.s32 $0x80;
	s5 =	sadd.s32 s5, s8  }
0xe: {  	[tilespmem:s4], [sflag:$0x3] =	stream.strided.gather [hbm4b:s5+s9], $0x100, s10, s9, $0x38;
	[tilespmem:$0xC200] =	vst v63  }
0xf: {  	s12 =	sshrl.u32 s12, $0x3;
	s6 =	sadd.s32 s6, s8;
	s8 =	sor.u32 $0x1C05, s24  }
0x10: {  	[tilespmem:s11], [sflag:$0x3] =	stream.strided.gather [hbm4b:s6+s9], $0x100, s10, s9, $0x38;
	[tilespmem:$0xC200] =	vst v63  }
0x11: {  	[spmem:s12], [sflag:s8] =	dma.local [hbm:s7], $0x800  }
0x12: {  	_ =	swait.ge [sflag:s13], $0x100  }
0x13: {  	[sflag:s13] =	ssyncset.done $0x0  }
0x14: {  	s14 =	simm.s32 $0x40;
	[sflag:s13] =	ssyncadd.s32 $0xFFFFFF00  }
0x15: {  	[tilespmem:s10], [sflag:$0x1] =	stream.indirect.gather [hbm4b:s1+s14], $0x80, s4, s14, $0xb8;
	[tilespmem:$0xC200] =	vst v63  }
0x16: {  	s15 =	simm.s32 $0x2200  }
0x17: {  	[tilespmem:s15], [sflag:$0x1] =	stream.indirect.gather [hbm4b:s1+s14], $0x80, s14, s14, $0xb8;
	[tilespmem:$0xC200] =	vst v63  }
0x18: {  	s16 =	simm.s32 $0x4200  }
0x19: {  	[tilespmem:s16], [sflag:$0x1] =	stream.indirect.gather [hbm4b:s1+s14], $0x80, s9, s14, $0xb8;
	[tilespmem:$0xC200] =	vst v63  }
0x1a: {  	s17 =	simm.s32 $0xC0;
	s18 =	simm.s32 $0x6200  }
0x1b: {  	[tilespmem:s18], [sflag:$0x1] =	stream.indirect.gather [hbm4b:s1+s14], $0x80, s17, s14, $0xb8;
	[tilespmem:$0xC200] =	vst v63  }
0x1c: {  	_ =	swait.ge [sflag:s13], $0x100  }
0x1d: {  	[sflag:s13] =	ssyncset.done $0x0  }
0x1e: {  	s19 =	simm.s32 $0x5;
	[sflag:s13] =	ssyncadd.s32 $0xFFFFFF00  }
0x1f: {  	_ =	swait.ge [sflag:s19], $0x800  }
0x20: {  	[sflag:s19] =	ssyncset.done $0x0  }
0x21: {  	[sflag:s19] =	ssyncadd.s32 $0xFFFFF800  }
0x22: {  	s20 =	simm.s32 $0x1;
	[bflag:$0x0] =	sbarrier.arrive $0xFFFF  }
0x23: {  	_ =	swait.ge [sflag:s20], $0x2000  }
0x24: {  	[sflag:s20] =	ssyncset.done $0x0  }
0x25: {  	[sflag:s20] =	ssyncadd.s32 $0xFFFFE000  }
0x26: {  	[tilespmem:s10], [sflag:$0x2] =	stream.indirect.gather.add.f32 [spmem:s3], $0x80, s11, s14, $0xb8;
	[tilespmem:$0xC200] =	vst v63  }
0x27: {  	_ =	swait.ge [sflag:s20], $0x2000  }
0x28: {  	[sflag:s20] =	ssyncset.done $0x0  }
0x29: {  	s21 =	simm.s32 $0x140;
	[sflag:s20] =	ssyncadd.s32 $0xFFFFE000  }
0x2a: {  	[tilespmem:s15], [sflag:$0x2] =	stream.indirect.gather.add.f32 [spmem:s3], $0x80, s21, s14, $0xb8;
	[tilespmem:$0xC200] =	vst v63  }
0x2b: {  	_ =	swait.ge [sflag:s20], $0x2000  }
0x2c: {  	[sflag:s20] =	ssyncset.done $0x0  }
0x2d: {  	s22 =	simm.s32 $0x180;
	[sflag:s20] =	ssyncadd.s32 $0xFFFFE000  }
0x2e: {  	[tilespmem:s16], [sflag:$0x2] =	stream.indirect.gather.add.f32 [spmem:s3], $0x80, s22, s14, $0xb8;
	[tilespmem:$0xC200] =	vst v63  }
0x2f: {  	_ =	swait.ge [sflag:s20], $0x2000  }
0x30: {  	[sflag:s20] =	ssyncset.done $0x0  }
0x31: {  	s23 =	simm.s32 $0x1C0;
	s24 =	simm.s32 $0x2;
	[sflag:s20] =	ssyncadd.s32 $0xFFFFE000  }
0x32: {  	[tilespmem:s18], [sflag:$0x2] =	stream.indirect.gather.add.f32 [spmem:s3], $0x80, s23, s14, $0xb8;
	[tilespmem:$0xC200] =	vst v63  }
0x33: {  	s28 =	sshll.u32 s28, $0xC;
	_ =	swait.ge [sflag:s24], $0x2000  }
0x34: {  	s26 =	sshll.u32 s26, $0xF;
	s25 =	sadd.s32 s28, s25;
	[sflag:s24] =	ssyncset.done $0x0  }
0x35: {  	s25 =	sadd.s32 s25, s26;
	[sflag:s24] =	ssyncadd.s32 $0xFFFFE000  }
0x36: {  	[hbm4b:s25+s4] =	stream.linear.scatter [tilespmem:s10], [sflag:$0x4], $0x2000, $0x38;
	[tilespmem:$0xC200] =	vst v63  }
0x37: {  	_ =	swait.ge [sflag:s24], $0x2000  }
0x38: {  	[sflag:s24] =	ssyncset.done $0x0  }
0x39: {  	s26 =	sadd.s32 $0x400, s25;
	[sflag:s24] =	ssyncadd.s32 $0xFFFFE000  }
0x3a: {  	[hbm4b:s26+s4] =	stream.linear.scatter [tilespmem:s15], [sflag:$0x4], $0x2000, $0x38;
	[tilespmem:$0xC200] =	vst v63  }
0x3b: {  	_ =	swait.ge [sflag:s24], $0x2000  }
0x3c: {  	[sflag:s24] =	ssyncset.done $0x0  }
0x3d: {  	s28 =	sadd.s32 $0x800, s25;
	[sflag:s24] =	ssyncadd.s32 $0xFFFFE000  }
0x3e: {  	[hbm4b:s28+s4] =	stream.linear.scatter [tilespmem:s16], [sflag:$0x4], $0x2000, $0x38;
	[tilespmem:$0xC200] =	vst v63  }
0x3f: {  	_ =	swait.ge [sflag:s24], $0x2000  }
0x40: {  	[sflag:s24] =	ssyncset.done $0x0  }
0x41: {  	s30 =	simm.s32 $0x4;
	s29 =	sadd.s32 $0xC00, s25;
	[sflag:s24] =	ssyncadd.s32 $0xFFFFE000  }
0x42: {  	[hbm4b:s29+s4] =	stream.linear.scatter [tilespmem:s18], [sflag:$0x4], $0x2000, $0x38;
	[tilespmem:$0xC200] =	vst v63  }
0x43: {  	_ =	swait.ge [sflag:s30], $0x2000  }
0x44: {  	s31 =	ssub.s32 $0x2, s31;
	[sflag:s30] =	ssyncset.done $0x0  }
0x45: {  	s2 =	sshrl.u32 s31, $0x1;
	[sflag:s30] =	ssyncadd.s32 $0xFFFFE000  }
0x46: {  	s2 =	ssub.s32 s31, s2;
	_ =	swait.ge [sflag:s30], $0x2000  }
0x47: {  	s2 =	smax.u32 s2, $0x1;
	[sflag:s30] =	ssyncset.done $0x0  }
0x48: {  	p0 =	sne.s32 s2, $0x1;
	[sflag:s30] =	ssyncadd.s32 $0xFFFFE000  }
.Ltmp0:
0x49: {  	_ =	swait.ge [sflag:s30], $0x2000;
	(pc) =	sbr.rel @!p0 .LBB2_2-.Ltmp0, $4  }
0x4a: {  	[sflag:s30] =	ssyncset.done $0x0  }
0x4b: {  	[sflag:s30] =	ssyncadd.s32 $0xFFFFE000  }
0x4c: {  	_ =	swait.ge [sflag:s30], $0x2000  }
0x4d: {  	s31 =	sadd.s32 $0xFFFFFFFF, s2;
	[sflag:s30] =	ssyncset.done $0x0  }
.LBB2_1:
0x4e: {  	p0 =	sne.s32 s31, $0x1;
	s31 =	sadd.s32 $0xFFFFFFFF, s31;
	[sflag:s30] =	ssyncadd.s32 $0xFFFFE000  }
0x4f: {  	[tilespmem:s4], [sflag:$0x3] =	stream.strided.gather [hbm4b:s5+s9], $0x100, s10, s9, $0x38;
	[tilespmem:$0xC200] =	vst v63  }
0x50: {  	_ = 	snop  }
0x51: {  	[tilespmem:s11], [sflag:$0x3] =	stream.strided.gather [hbm4b:s6+s9], $0x100, s10, s9, $0x38;
	[tilespmem:$0xC200] =	vst v63  }
0x52: {  	[spmem:s12], [sflag:s8] =	dma.local [hbm:s7], $0x800  }
0x53: {  	_ =	swait.ge [sflag:s13], $0x100  }
0x54: {  	[sflag:s13] =	ssyncset.done $0x0  }
0x55: {  	[sflag:s13] =	ssyncadd.s32 $0xFFFFFF00  }
0x56: {  	[tilespmem:s10], [sflag:$0x1] =	stream.indirect.gather [hbm4b:s1+s14], $0x80, s4, s14, $0xb8;
	[tilespmem:$0xC200] =	vst v63  }
0x57: {  	_ = 	snop  }
0x58: {  	[tilespmem:s15], [sflag:$0x1] =	stream.indirect.gather [hbm4b:s1+s14], $0x80, s14, s14, $0xb8;
	[tilespmem:$0xC200] =	vst v63  }
0x59: {  	_ = 	snop  }
0x5a: {  	[tilespmem:s16], [sflag:$0x1] =	stream.indirect.gather [hbm4b:s1+s14], $0x80, s9, s14, $0xb8;
	[tilespmem:$0xC200] =	vst v63  }
0x5b: {  	_ = 	snop  }
0x5c: {  	[tilespmem:s18], [sflag:$0x1] =	stream.indirect.gather [hbm4b:s1+s14], $0x80, s17, s14, $0xb8;
	[tilespmem:$0xC200] =	vst v63  }
0x5d: {  	_ =	swait.ge [sflag:s13], $0x100  }
0x5e: {  	[sflag:s13] =	ssyncset.done $0x0  }
0x5f: {  	[sflag:s13] =	ssyncadd.s32 $0xFFFFFF00  }
0x60: {  	_ =	swait.ge [sflag:s19], $0x800  }
0x61: {  	[sflag:s19] =	ssyncset.done $0x0  }
0x62: {  	[sflag:s19] =	ssyncadd.s32 $0xFFFFF800  }
0x63: {  	[bflag:$0x0] =	sbarrier.arrive $0xFFFF  }
0x64: {  	_ =	swait.ge [sflag:s20], $0x2000  }
0x65: {  	[sflag:s20] =	ssyncset.done $0x0  }
0x66: {  	[sflag:s20] =	ssyncadd.s32 $0xFFFFE000  }
0x67: {  	[tilespmem:s10], [sflag:$0x2] =	stream.indirect.gather.add.f32 [spmem:s3], $0x80, s11, s14, $0xb8;
	[tilespmem:$0xC200] =	vst v63  }
0x68: {  	_ =	swait.ge [sflag:s20], $0x2000  }
0x69: {  	[sflag:s20] =	ssyncset.done $0x0  }
0x6a: {  	[sflag:s20] =	ssyncadd.s32 $0xFFFFE000  }
0x6b: {  	[tilespmem:s15], [sflag:$0x2] =	stream.indirect.gather.add.f32 [spmem:s3], $0x80, s21, s14, $0xb8;
	[tilespmem:$0xC200] =	vst v63  }
0x6c: {  	_ =	swait.ge [sflag:s20], $0x2000  }
0x6d: {  	[sflag:s20] =	ssyncset.done $0x0  }
0x6e: {  	[sflag:s20] =	ssyncadd.s32 $0xFFFFE000  }
0x6f: {  	[tilespmem:s16], [sflag:$0x2] =	stream.indirect.gather.add.f32 [spmem:s3], $0x80, s22, s14, $0xb8;
	[tilespmem:$0xC200] =	vst v63  }
0x70: {  	_ =	swait.ge [sflag:s20], $0x2000  }
0x71: {  	[sflag:s20] =	ssyncset.done $0x0  }
0x72: {  	[sflag:s20] =	ssyncadd.s32 $0xFFFFE000  }
0x73: {  	[tilespmem:s18], [sflag:$0x2] =	stream.indirect.gather.add.f32 [spmem:s3], $0x80, s23, s14, $0xb8;
	[tilespmem:$0xC200] =	vst v63  }
0x74: {  	_ =	swait.ge [sflag:s24], $0x2000  }
0x75: {  	[sflag:s24] =	ssyncset.done $0x0  }
0x76: {  	[sflag:s24] =	ssyncadd.s32 $0xFFFFE000  }
0x77: {  	[hbm4b:s25+s4] =	stream.linear.scatter [tilespmem:s10], [sflag:$0x4], $0x2000, $0x38;
	[tilespmem:$0xC200] =	vst v63  }
0x78: {  	_ =	swait.ge [sflag:s24], $0x2000  }
0x79: {  	[sflag:s24] =	ssyncset.done $0x0  }
0x7a: {  	[sflag:s24] =	ssyncadd.s32 $0xFFFFE000  }
0x7b: {  	[hbm4b:s26+s4] =	stream.linear.scatter [tilespmem:s15], [sflag:$0x4], $0x2000, $0x38;
	[tilespmem:$0xC200] =	vst v63  }
0x7c: {  	_ =	swait.ge [sflag:s24], $0x2000  }
0x7d: {  	[sflag:s24] =	ssyncset.done $0x0  }
0x7e: {  	[sflag:s24] =	ssyncadd.s32 $0xFFFFE000  }
0x7f: {  	[hbm4b:s28+s4] =	stream.linear.scatter [tilespmem:s16], [sflag:$0x4], $0x2000, $0x38;
	[tilespmem:$0xC200] =	vst v63  }
0x80: {  	_ =	swait.ge [sflag:s24], $0x2000  }
0x81: {  	[sflag:s24] =	ssyncset.done $0x0  }
0x82: {  	[sflag:s24] =	ssyncadd.s32 $0xFFFFE000  }
0x83: {  	[hbm4b:s29+s4] =	stream.linear.scatter [tilespmem:s18], [sflag:$0x4], $0x2000, $0x38;
	[tilespmem:$0xC200] =	vst v63  }
0x84: {  	_ =	swait.ge [sflag:s30], $0x2000  }
0x85: {  	[sflag:s30] =	ssyncset.done $0x0  }
0x86: {  	[sflag:s30] =	ssyncadd.s32 $0xFFFFE000  }
0x87: {  	_ =	swait.ge [sflag:s30], $0x2000  }
0x88: {  	[sflag:s30] =	ssyncset.done $0x0  }
0x89: {  	[sflag:s30] =	ssyncadd.s32 $0xFFFFE000  }
.Ltmp1:
0x8a: {  	_ =	swait.ge [sflag:s30], $0x2000;
	(pc) =	sbr.rel @p0 .LBB2_1-.Ltmp1, $4  }
0x8b: {  	[sflag:s30] =	ssyncset.done $0x0  }
0x8c: {  	[sflag:s30] =	ssyncadd.s32 $0xFFFFE000  }
0x8d: {  	_ =	swait.ge [sflag:s30], $0x2000  }
0x8e: {  	[sflag:s30] =	ssyncset.done $0x0  }
.LBB2_2:
0x8f: {  	[sflag:s30] =	ssyncadd.s32 $0xFFFFE000  }
0x90: {  	_ =	sfence.sel $0x180000  }
0x91: {  	[bflag:$0x0] =	sbarrier.arrive $0xFFFF  }
0x92: {  	_ =	strace $0x90000047  }
0x93: {  	[bflag:$0x2] =	sbarrier.arrive $0xFFFF  }
0x94: {  	p0 =	sne.s32 s0, $0x0;
	s0 =	rddreg [dreg:$0x6]  }
0x95: {  	s0 =	sadd.s32 @!p0 $0x100000, s0  }
0x96: {  	[sflag:s0] =	ssyncadd.tile.s32 @!p0 $0x1;
	_ =	shalt  }
.Lfunc_end2:
_tile_overlayer_lowered:
.L_overlay_start_2:
0x97: {  	(tag) =	ssettag $0x2  }
0x98: {  	s0 =	rddreg [dreg:$0x0];
	s2 =	stileid.u32  }
0x99: {  	s1 =	rddreg [dreg:$0x1];
	p0 =	sne.s32 s2, $0x0  }
0x9a: {  	s3 =	rddreg [dreg:$0x2];
	[bflag:$0x3] =	sbarrier.arrive $0xFFFF;
	s2 =	simm.s32 @!p0 $0x1C06  }
0x9b: {  	[timem:s3], [sflag:s2] =	dma.local @!p0 [hbm:s0], s1  }
0x9c: {  	s0 =	simm.s32 @!p0 $0x6  }
0x9d: {  	_ =	swait.ge @!p0 [sflag:s0], s1  }
0x9e: {  	s1 =	ssub.s32 @!p0 $0x0, s1;
	[sflag:s0] =	ssyncset.done @!p0 $0x0  }
0x9f: {  	[sflag:s0] =	ssyncadd.s32 @!p0 s1  }
0xa0: {  	[bflag:$0x3] =	sbarrier.arrive $0xFFFF  }
0xa1: {  	_ =	shalt  }

</sc_bundles>
